<compile_context>
chip_gen: v7x
topology: tpu7x:2x2x1
jax: 0.10.2.dev20260603
libtpu: 0.0.44.dev20260713+nightly
codegen_flags: <defaults>
</compile_context>

<pallas_src>
import functools

import jax
import jax.numpy as jnp
from jax import lax
from jax.experimental import pallas as pl
from jax.experimental.pallas import tpu as pltpu
from jax.experimental.pallas import tpu_sc as plsc

_INFO = plsc.get_sparse_core_info()
_NC, _NS = _INFO.num_cores, _INFO.num_subcores
_NW = _NC * _NS

_N = 4 * 4096
_D = 1024
_RPW = _N // _NW
_CH = 32
_NCHUNK = _RPW // _CH

_mesh = plsc.VectorSubcoreMesh(core_axis_name="c", subcore_axis_name="s")


@functools.partial(
    pl.kernel,
    mesh=_mesh,
    out_type=jax.ShapeDtypeStruct((_N, _D), jnp.float32),
    scratch_types=[
        pltpu.VMEM((_RPW,), jnp.int32),
        pltpu.VMEM((_CH, _D), jnp.float32),
        pltpu.VMEM((_CH, _D), jnp.float32),
        pltpu.SemaphoreType.DMA,
        pltpu.SemaphoreType.DMA,
        pltpu.SemaphoreType.DMA,
    ],
)
def _gather_rows(table_hbm, idx_hbm, out_hbm, idx_v, buf0, buf1, gsem, osem, isem):
    wid = lax.axis_index("s") * _NC + lax.axis_index("c")
    base = wid * _RPW
    head = 2 * _CH
    pltpu.sync_copy(idx_hbm.at[pl.ds(base, head)], idx_v.at[pl.ds(0, head)])
    idx_rest = pltpu.async_copy(
        idx_hbm.at[pl.ds(base + head, _RPW - head)],
        idx_v.at[pl.ds(head, _RPW - head)],
        isem,
    )

    def gather(c, buf):
        return pltpu.async_copy(
            table_hbm.at[idx_v.at[pl.ds(c * _CH, _CH)]], buf, gsem
        )

    def copy_out(c, buf):
        return pltpu.async_copy(buf, out_hbm.at[pl.ds(base + c * _CH, _CH)], osem)

    def wait_gather(buf):
        pltpu.make_async_copy(table_hbm.at[idx_v.at[pl.ds(0, _CH)]], buf, gsem).wait()

    def wait_out(buf):
        pltpu.make_async_copy(buf, out_hbm.at[pl.ds(base, _CH)], osem).wait()

    gather(0, buf0)
    gather(1, buf1)
    idx_rest.wait()

    @pl.loop(0, _NCHUNK // 2 - 1)
    def _pair(k):
        c0 = 2 * k
        wait_gather(buf0)
        copy_out(c0, buf0)
        wait_gather(buf1)
        copy_out(c0 + 1, buf1)
        wait_out(buf0)
        gather(c0 + 2, buf0)
        wait_out(buf1)
        gather(c0 + 3, buf1)

    last = _NCHUNK - 2
    wait_gather(buf0)
    copy_out(last, buf0)
    wait_gather(buf1)
    copy_out(last + 1, buf1)
    wait_out(buf0)
    wait_out(buf1)


def kernel(pos_idx, time, pos_emb):
    del time
    idx = pos_idx.reshape(-1)
    table = pos_emb.reshape(pos_emb.shape[-2], pos_emb.shape[-1])
    out = _gather_rows(table, idx)
    return out.reshape(pos_idx.shape + (pos_emb.shape[-1],))

# --- scband reference (transcript-rebuilt; emitter-appended) ---
"""Pipeline reference for scband-pos-embedding-5815385719295 (READ-ONLY COPY).

The authoritative reference and input builder live on the scoring server;
editing this copy changes nothing except your own understanding.
"""

import jax, jax.numpy as jnp
import numpy as np

B = 4
S = 4096
EMB = 1024
SEQ_LENGTH = 4096

def setup_inputs(seed: int = 0) -> dict:
    key = jax.random.key(seed)
    k1, k2, k3 = jax.random.split(key, 3)
    pos_idx = jax.random.randint(k1, (B, S), 0, SEQ_LENGTH, dtype=jnp.int32)
    time = jax.random.normal(k2, (B, S, 4), dtype=jnp.float32)
    # learnable positional embedding parameter, shape (1, seq_length, emb_dim)
    pos_emb = jax.random.normal(k3, (1, SEQ_LENGTH, EMB), dtype=jnp.float32)
    return {"pos_idx": pos_idx, "time": time, "pos_emb": pos_emb}

def reference(pos_idx, time, pos_emb):
    # cfg.pos_emb == 'learnable' branch: return self.pos_emb[0, pos_idx.int()]
    # 'time' is unused in this branch (only used for 'temporal').
    table = pos_emb[0]                      # (seq_length, emb_dim)
    out = jnp.take(table, pos_idx, axis=0)  # (B, S, emb_dim) gather
    return out

if __name__ == "__main__":
    import jax
    _d = setup_inputs()
    print(jax.jit(kernel)(*tuple(_d.values())))

</pallas_src>

<mosaic_0001>
#map = affine_map<(d0, d1) -> (0, 0)>
#map1 = affine_map<(d0, d1) -> (0)>
module attributes {stable_mosaic.version = 14 : i64} {
  func.func @_gather_rows(%arg0: i32, %arg1: i32, %arg2: memref<4096x1024xf32, #tpu.memory_space<hbm>>, %arg3: memref<16384xi32, #tpu.memory_space<hbm>>, %arg4: memref<16384x1024xf32, #tpu.memory_space<hbm>>, %arg5: memref<512xi32, #tpu.memory_space<vmem>>, %arg6: memref<32x1024xf32, #tpu.memory_space<vmem>>, %arg7: memref<32x1024xf32, #tpu.memory_space<vmem>>, %arg8: memref<!tpu.dma_semaphore, #tpu.memory_space<semaphore_mem>>, %arg9: memref<!tpu.dma_semaphore, #tpu.memory_space<semaphore_mem>>, %arg10: memref<!tpu.dma_semaphore, #tpu.memory_space<semaphore_mem>>) attributes {dimension_semantics = [#tpu.dimension_semantics<core_parallel>, #tpu.dimension_semantics<subcore_parallel>], iteration_bounds = array<i64: 2, 16>, scalar_prefetch = 0 : i64, scratch_operands = 6 : i64, tpu.core_type = #tpu.core_type<sc_vector_subcore>, window_params = [{transform_indices = #map}, {transform_indices = #map1}, {transform_indices = #map}]} {
    %mul3A = arith.constant 2 : i32
    %mul3A_0 = arith.muli %arg1, %mul3A : i32
    %add3A = arith.addi %mul3A_0, %arg0 : i32
    %mul3A_1 = arith.constant 512 : i32
    %mul3A_2 = arith.muli %add3A, %mul3A_1 : i32
    "tpu.region"() ({
      %run_scoped3A = tpu.sem_alloc : memref<!tpu.dma_semaphore, #tpu.memory_space<semaphore_mem>>
      %dma_start3A_59 = arith.constant 0 : i32
      %dma_start3A_60 = tpu.memref_slice %arg5[%dma_start3A_59] : memref<512xi32, #tpu.memory_space<vmem>> -> memref<64xi32, #tpu.memory_space<vmem>>
      %dma_start3A_61 = tpu.memref_slice %arg3[%mul3A_2] : memref<16384xi32, #tpu.memory_space<hbm>> -> memref<64xi32, #tpu.memory_space<hbm>>
      %dma_start3A_62 = arith.constant 0 : i32
      %dma_start3A_63 = tpu.memref_slice %arg5[%dma_start3A_62] : memref<512xi32, #tpu.memory_space<vmem>> -> memref<64xi32, #tpu.memory_space<vmem>>
      %dma_start3A_64 = tpu.memref_slice %arg3[%mul3A_2] : memref<16384xi32, #tpu.memory_space<hbm>> -> memref<64xi32, #tpu.memory_space<hbm>>
      tpu.enqueue_dma source(%dma_start3A_64 : memref<64xi32, #tpu.memory_space<hbm>>) target(%dma_start3A_63 : memref<64xi32, #tpu.memory_space<vmem>>) target_semaphore(%run_scoped3A : memref<!tpu.dma_semaphore, #tpu.memory_space<semaphore_mem>>)
      %dma_wait3A_65 = arith.constant 0 : i32
      %dma_wait3A_66 = tpu.memref_slice %arg5[%dma_wait3A_65] : memref<512xi32, #tpu.memory_space<vmem>> -> memref<64xi32, #tpu.memory_space<vmem>>
      %dma_wait3A_67 = tpu.memref_slice %arg3[%mul3A_2] : memref<16384xi32, #tpu.memory_space<hbm>> -> memref<64xi32, #tpu.memory_space<hbm>>
      %dma_wait3A_68 = arith.constant 0 : i32
      %dma_wait3A_69 = tpu.memref_slice %arg5[%dma_wait3A_68] : memref<512xi32, #tpu.memory_space<vmem>> -> memref<64xi32, #tpu.memory_space<vmem>>
      %dma_wait3A_70 = tpu.memref_slice %arg3[%mul3A_2] : memref<16384xi32, #tpu.memory_space<hbm>> -> memref<64xi32, #tpu.memory_space<hbm>>
      tpu.wait_dma2 semaphore(%run_scoped3A : memref<!tpu.dma_semaphore, #tpu.memory_space<semaphore_mem>>) src(%dma_wait3A_70 : memref<64xi32, #tpu.memory_space<hbm>>) dst(%dma_wait3A_69 : memref<64xi32, #tpu.memory_space<vmem>>)
      tpu.yield
    }) : () -> ()
    %add3A_3 = arith.constant 64 : i32
    %add3A_4 = arith.addi %mul3A_2, %add3A_3 : i32
    %dma_start3A = arith.constant 64 : i32
    %dma_start3A_5 = tpu.memref_slice %arg5[%dma_start3A] : memref<512xi32, #tpu.memory_space<vmem>> -> memref<448xi32, #tpu.memory_space<vmem>>
    %dma_start3A_6 = tpu.memref_slice %arg3[%add3A_4] : memref<16384xi32, #tpu.memory_space<hbm>> -> memref<448xi32, #tpu.memory_space<hbm>>
    %dma_start3A_7 = arith.constant 64 : i32
    %dma_start3A_8 = tpu.memref_slice %arg5[%dma_start3A_7] : memref<512xi32, #tpu.memory_space<vmem>> -> memref<448xi32, #tpu.memory_space<vmem>>
    %dma_start3A_9 = tpu.memref_slice %arg3[%add3A_4] : memref<16384xi32, #tpu.memory_space<hbm>> -> memref<448xi32, #tpu.memory_space<hbm>>
    tpu.enqueue_dma source(%dma_start3A_9 : memref<448xi32, #tpu.memory_space<hbm>>) target(%dma_start3A_8 : memref<448xi32, #tpu.memory_space<vmem>>) target_semaphore(%arg10 : memref<!tpu.dma_semaphore, #tpu.memory_space<semaphore_mem>>)
    %dma_start3A_10 = arith.constant 0 : i32
    %dma_start3A_11 = tpu.memref_slice %arg5[%dma_start3A_10] : memref<512xi32, #tpu.memory_space<vmem>> -> memref<32xi32, #tpu.memory_space<vmem>>
    %dma_start3A_12 = arith.constant 0 : i32
    %dma_start3A_13 = arith.constant 0 : i32
    %dma_start3A_14 = tpu.memref_slice %arg2[%dma_start3A_12, %dma_start3A_13] : memref<4096x1024xf32, #tpu.memory_space<hbm>> -> memref<4096x1024xf32, #tpu.memory_space<hbm>>
    tpu.enqueue_indirect_dma source(%dma_start3A_14 : memref<4096x1024xf32, #tpu.memory_space<hbm>>) target(%arg6 : memref<32x1024xf32, #tpu.memory_space<vmem>>) offsets(%dma_start3A_11 : memref<32xi32, #tpu.memory_space<vmem>>) semaphore(%arg8 : memref<!tpu.dma_semaphore, #tpu.memory_space<semaphore_mem>>)
    %dma_start3A_15 = arith.constant 32 : i32
    %dma_start3A_16 = tpu.memref_slice %arg5[%dma_start3A_15] : memref<512xi32, #tpu.memory_space<vmem>> -> memref<32xi32, #tpu.memory_space<vmem>>
    %dma_start3A_17 = arith.constant 0 : i32
    %dma_start3A_18 = arith.constant 0 : i32
    %dma_start3A_19 = tpu.memref_slice %arg2[%dma_start3A_17, %dma_start3A_18] : memref<4096x1024xf32, #tpu.memory_space<hbm>> -> memref<4096x1024xf32, #tpu.memory_space<hbm>>
    tpu.enqueue_indirect_dma source(%dma_start3A_19 : memref<4096x1024xf32, #tpu.memory_space<hbm>>) target(%arg7 : memref<32x1024xf32, #tpu.memory_space<vmem>>) offsets(%dma_start3A_16 : memref<32xi32, #tpu.memory_space<vmem>>) semaphore(%arg8 : memref<!tpu.dma_semaphore, #tpu.memory_space<semaphore_mem>>)
    %dma_wait3A = arith.constant 64 : i32
    %dma_wait3A_20 = tpu.memref_slice %arg5[%dma_wait3A] : memref<512xi32, #tpu.memory_space<vmem>> -> memref<448xi32, #tpu.memory_space<vmem>>
    %dma_wait3A_21 = tpu.memref_slice %arg3[%add3A_4] : memref<16384xi32, #tpu.memory_space<hbm>> -> memref<448xi32, #tpu.memory_space<hbm>>
    %dma_wait3A_22 = arith.constant 64 : i32
    %dma_wait3A_23 = tpu.memref_slice %arg5[%dma_wait3A_22] : memref<512xi32, #tpu.memory_space<vmem>> -> memref<448xi32, #tpu.memory_space<vmem>>
    %dma_wait3A_24 = tpu.memref_slice %arg3[%add3A_4] : memref<16384xi32, #tpu.memory_space<hbm>> -> memref<448xi32, #tpu.memory_space<hbm>>
    tpu.wait_dma2 semaphore(%arg10 : memref<!tpu.dma_semaphore, #tpu.memory_space<semaphore_mem>>) src(%dma_wait3A_24 : memref<448xi32, #tpu.memory_space<hbm>>) dst(%dma_wait3A_23 : memref<448xi32, #tpu.memory_space<vmem>>)
    %scan3A = arith.constant 0 : i32
    %scan3A_25 = arith.constant 7 : i32
    %scan3A_26 = arith.addi %scan3A, %scan3A_25 : i32
    %scan3A_27 = arith.constant 1 : i32
    scf.for %scan3A_59 = %scan3A to %scan3A_26 step %scan3A_27  : i32 {
      %mul3A_60 = arith.constant 1 : i32
      %mul3A_61 = arith.muli %scan3A_59, %mul3A_60 : i32
      %add3A_62 = arith.constant 0 : i32
      %add3A_63 = arith.addi %add3A_62, %mul3A_61 : i32
      %mul3A_64 = arith.constant 2 : i32
      %mul3A_65 = arith.muli %mul3A_64, %add3A_63 : i32
      %dma_wait3A_66 = arith.constant 0 : i32
      %dma_wait3A_67 = tpu.memref_slice %arg5[%dma_wait3A_66] : memref<512xi32, #tpu.memory_space<vmem>> -> memref<32xi32, #tpu.memory_space<vmem>>
      %dma_wait3A_68 = arith.constant 0 : i32
      %dma_wait3A_69 = arith.constant 0 : i32
      %dma_wait3A_70 = tpu.memref_slice %arg2[%dma_wait3A_68, %dma_wait3A_69] : memref<4096x1024xf32, #tpu.memory_space<hbm>> -> memref<4096x1024xf32, #tpu.memory_space<hbm>>
      tpu.wait_indirect_dma semaphore(%arg8 : memref<!tpu.dma_semaphore, #tpu.memory_space<semaphore_mem>>) src(%dma_wait3A_70 : memref<4096x1024xf32, #tpu.memory_space<hbm>>) dst(%arg6 : memref<32x1024xf32, #tpu.memory_space<vmem>>)
      %mul3A_71 = arith.constant 32 : i32
      %mul3A_72 = arith.muli %mul3A_65, %mul3A_71 : i32
      %add3A_73 = arith.addi %mul3A_2, %mul3A_72 : i32
      %dma_start3A_74 = arith.constant 0 : i32
      %dma_start3A_75 = tpu.memref_slice %arg4[%add3A_73, %dma_start3A_74] : memref<16384x1024xf32, #tpu.memory_space<hbm>> -> memref<32x1024xf32, #tpu.memory_space<hbm>>
      %dma_start3A_76 = arith.constant 0 : i32
      %dma_start3A_77 = tpu.memref_slice %arg4[%add3A_73, %dma_start3A_76] : memref<16384x1024xf32, #tpu.memory_space<hbm>> -> memref<32x1024xf32, #tpu.memory_space<hbm>>
      tpu.enqueue_dma source(%arg6 : memref<32x1024xf32, #tpu.memory_space<vmem>>) target(%dma_start3A_77 : memref<32x1024xf32, #tpu.memory_space<hbm>>) target_semaphore(%arg9 : memref<!tpu.dma_semaphore, #tpu.memory_space<semaphore_mem>>)
      %dma_wait3A_78 = arith.constant 0 : i32
      %dma_wait3A_79 = tpu.memref_slice %arg5[%dma_wait3A_78] : memref<512xi32, #tpu.memory_space<vmem>> -> memref<32xi32, #tpu.memory_space<vmem>>
      %dma_wait3A_80 = arith.constant 0 : i32
      %dma_wait3A_81 = arith.constant 0 : i32
      %dma_wait3A_82 = tpu.memref_slice %arg2[%dma_wait3A_80, %dma_wait3A_81] : memref<4096x1024xf32, #tpu.memory_space<hbm>> -> memref<4096x1024xf32, #tpu.memory_space<hbm>>
      tpu.wait_indirect_dma semaphore(%arg8 : memref<!tpu.dma_semaphore, #tpu.memory_space<semaphore_mem>>) src(%dma_wait3A_82 : memref<4096x1024xf32, #tpu.memory_space<hbm>>) dst(%arg7 : memref<32x1024xf32, #tpu.memory_space<vmem>>)
      %add3A_83 = arith.constant 1 : i32
      %add3A_84 = arith.addi %mul3A_65, %add3A_83 : i32
      %mul3A_85 = arith.constant 32 : i32
      %mul3A_86 = arith.muli %add3A_84, %mul3A_85 : i32
      %add3A_87 = arith.addi %mul3A_2, %mul3A_86 : i32
      %dma_start3A_88 = arith.constant 0 : i32
      %dma_start3A_89 = tpu.memref_slice %arg4[%add3A_87, %dma_start3A_88] : memref<16384x1024xf32, #tpu.memory_space<hbm>> -> memref<32x1024xf32, #tpu.memory_space<hbm>>
      %dma_start3A_90 = arith.constant 0 : i32
      %dma_start3A_91 = tpu.memref_slice %arg4[%add3A_87, %dma_start3A_90] : memref<16384x1024xf32, #tpu.memory_space<hbm>> -> memref<32x1024xf32, #tpu.memory_space<hbm>>
      tpu.enqueue_dma source(%arg7 : memref<32x1024xf32, #tpu.memory_space<vmem>>) target(%dma_start3A_91 : memref<32x1024xf32, #tpu.memory_space<hbm>>) target_semaphore(%arg9 : memref<!tpu.dma_semaphore, #tpu.memory_space<semaphore_mem>>)
      %dma_wait3A_92 = arith.constant 0 : i32
      %dma_wait3A_93 = tpu.memref_slice %arg4[%mul3A_2, %dma_wait3A_92] : memref<16384x1024xf32, #tpu.memory_space<hbm>> -> memref<32x1024xf32, #tpu.memory_space<hbm>>
      %dma_wait3A_94 = arith.constant 0 : i32
      %dma_wait3A_95 = tpu.memref_slice %arg4[%mul3A_2, %dma_wait3A_94] : memref<16384x1024xf32, #tpu.memory_space<hbm>> -> memref<32x1024xf32, #tpu.memory_space<hbm>>
      tpu.wait_dma2 semaphore(%arg9 : memref<!tpu.dma_semaphore, #tpu.memory_space<semaphore_mem>>) src(%arg6 : memref<32x1024xf32, #tpu.memory_space<vmem>>) dst(%dma_wait3A_95 : memref<32x1024xf32, #tpu.memory_space<hbm>>)
      %add3A_96 = arith.constant 2 : i32
      %add3A_97 = arith.addi %mul3A_65, %add3A_96 : i32
      %mul3A_98 = arith.constant 32 : i32
      %mul3A_99 = arith.muli %add3A_97, %mul3A_98 : i32
      %dma_start3A_100 = tpu.memref_slice %arg5[%mul3A_99] : memref<512xi32, #tpu.memory_space<vmem>> -> memref<32xi32, #tpu.memory_space<vmem>>
      %dma_start3A_101 = arith.constant 0 : i32
      %dma_start3A_102 = arith.constant 0 : i32
      %dma_start3A_103 = tpu.memref_slice %arg2[%dma_start3A_101, %dma_start3A_102] : memref<4096x1024xf32, #tpu.memory_space<hbm>> -> memref<4096x1024xf32, #tpu.memory_space<hbm>>
      tpu.enqueue_indirect_dma source(%dma_start3A_103 : memref<4096x1024xf32, #tpu.memory_space<hbm>>) target(%arg6 : memref<32x1024xf32, #tpu.memory_space<vmem>>) offsets(%dma_start3A_100 : memref<32xi32, #tpu.memory_space<vmem>>) semaphore(%arg8 : memref<!tpu.dma_semaphore, #tpu.memory_space<semaphore_mem>>)
      %dma_wait3A_104 = arith.constant 0 : i32
      %dma_wait3A_105 = tpu.memref_slice %arg4[%mul3A_2, %dma_wait3A_104] : memref<16384x1024xf32, #tpu.memory_space<hbm>> -> memref<32x1024xf32, #tpu.memory_space<hbm>>
      %dma_wait3A_106 = arith.constant 0 : i32
      %dma_wait3A_107 = tpu.memref_slice %arg4[%mul3A_2, %dma_wait3A_106] : memref<16384x1024xf32, #tpu.memory_space<hbm>> -> memref<32x1024xf32, #tpu.memory_space<hbm>>
      tpu.wait_dma2 semaphore(%arg9 : memref<!tpu.dma_semaphore, #tpu.memory_space<semaphore_mem>>) src(%arg7 : memref<32x1024xf32, #tpu.memory_space<vmem>>) dst(%dma_wait3A_107 : memref<32x1024xf32, #tpu.memory_space<hbm>>)
      %add3A_108 = arith.constant 3 : i32
      %add3A_109 = arith.addi %mul3A_65, %add3A_108 : i32
      %mul3A_110 = arith.constant 32 : i32
      %mul3A_111 = arith.muli %add3A_109, %mul3A_110 : i32
      %dma_start3A_112 = tpu.memref_slice %arg5[%mul3A_111] : memref<512xi32, #tpu.memory_space<vmem>> -> memref<32xi32, #tpu.memory_space<vmem>>
      %dma_start3A_113 = arith.constant 0 : i32
      %dma_start3A_114 = arith.constant 0 : i32
      %dma_start3A_115 = tpu.memref_slice %arg2[%dma_start3A_113, %dma_start3A_114] : memref<4096x1024xf32, #tpu.memory_space<hbm>> -> memref<4096x1024xf32, #tpu.memory_space<hbm>>
      tpu.enqueue_indirect_dma source(%dma_start3A_115 : memref<4096x1024xf32, #tpu.memory_space<hbm>>) target(%arg7 : memref<32x1024xf32, #tpu.memory_space<vmem>>) offsets(%dma_start3A_112 : memref<32xi32, #tpu.memory_space<vmem>>) semaphore(%arg8 : memref<!tpu.dma_semaphore, #tpu.memory_space<semaphore_mem>>)
    }
    %scan3A_28 = arith.constant 7 : i32
    %dma_wait3A_29 = arith.constant 0 : i32
    %dma_wait3A_30 = tpu.memref_slice %arg5[%dma_wait3A_29] : memref<512xi32, #tpu.memory_space<vmem>> -> memref<32xi32, #tpu.memory_space<vmem>>
    %dma_wait3A_31 = arith.constant 0 : i32
    %dma_wait3A_32 = arith.constant 0 : i32
    %dma_wait3A_33 = tpu.memref_slice %arg2[%dma_wait3A_31, %dma_wait3A_32] : memref<4096x1024xf32, #tpu.memory_space<hbm>> -> memref<4096x1024xf32, #tpu.memory_space<hbm>>
    tpu.wait_indirect_dma semaphore(%arg8 : memref<!tpu.dma_semaphore, #tpu.memory_space<semaphore_mem>>) src(%dma_wait3A_33 : memref<4096x1024xf32, #tpu.memory_space<hbm>>) dst(%arg6 : memref<32x1024xf32, #tpu.memory_space<vmem>>)
    %add3A_34 = arith.constant 448 : i32
    %add3A_35 = arith.addi %mul3A_2, %add3A_34 : i32
    %dma_start3A_36 = arith.constant 0 : i32
    %dma_start3A_37 = tpu.memref_slice %arg4[%add3A_35, %dma_start3A_36] : memref<16384x1024xf32, #tpu.memory_space<hbm>> -> memref<32x1024xf32, #tpu.memory_space<hbm>>
    %dma_start3A_38 = arith.constant 0 : i32
    %dma_start3A_39 = tpu.memref_slice %arg4[%add3A_35, %dma_start3A_38] : memref<16384x1024xf32, #tpu.memory_space<hbm>> -> memref<32x1024xf32, #tpu.memory_space<hbm>>
    tpu.enqueue_dma source(%arg6 : memref<32x1024xf32, #tpu.memory_space<vmem>>) target(%dma_start3A_39 : memref<32x1024xf32, #tpu.memory_space<hbm>>) target_semaphore(%arg9 : memref<!tpu.dma_semaphore, #tpu.memory_space<semaphore_mem>>)
    %dma_wait3A_40 = arith.constant 0 : i32
    %dma_wait3A_41 = tpu.memref_slice %arg5[%dma_wait3A_40] : memref<512xi32, #tpu.memory_space<vmem>> -> memref<32xi32, #tpu.memory_space<vmem>>
    %dma_wait3A_42 = arith.constant 0 : i32
    %dma_wait3A_43 = arith.constant 0 : i32
    %dma_wait3A_44 = tpu.memref_slice %arg2[%dma_wait3A_42, %dma_wait3A_43] : memref<4096x1024xf32, #tpu.memory_space<hbm>> -> memref<4096x1024xf32, #tpu.memory_space<hbm>>
    tpu.wait_indirect_dma semaphore(%arg8 : memref<!tpu.dma_semaphore, #tpu.memory_space<semaphore_mem>>) src(%dma_wait3A_44 : memref<4096x1024xf32, #tpu.memory_space<hbm>>) dst(%arg7 : memref<32x1024xf32, #tpu.memory_space<vmem>>)
    %add3A_45 = arith.constant 480 : i32
    %add3A_46 = arith.addi %mul3A_2, %add3A_45 : i32
    %dma_start3A_47 = arith.constant 0 : i32
    %dma_start3A_48 = tpu.memref_slice %arg4[%add3A_46, %dma_start3A_47] : memref<16384x1024xf32, #tpu.memory_space<hbm>> -> memref<32x1024xf32, #tpu.memory_space<hbm>>
    %dma_start3A_49 = arith.constant 0 : i32
    %dma_start3A_50 = tpu.memref_slice %arg4[%add3A_46, %dma_start3A_49] : memref<16384x1024xf32, #tpu.memory_space<hbm>> -> memref<32x1024xf32, #tpu.memory_space<hbm>>
    tpu.enqueue_dma source(%arg7 : memref<32x1024xf32, #tpu.memory_space<vmem>>) target(%dma_start3A_50 : memref<32x1024xf32, #tpu.memory_space<hbm>>) target_semaphore(%arg9 : memref<!tpu.dma_semaphore, #tpu.memory_space<semaphore_mem>>)
    %dma_wait3A_51 = arith.constant 0 : i32
    %dma_wait3A_52 = tpu.memref_slice %arg4[%mul3A_2, %dma_wait3A_51] : memref<16384x1024xf32, #tpu.memory_space<hbm>> -> memref<32x1024xf32, #tpu.memory_space<hbm>>
    %dma_wait3A_53 = arith.constant 0 : i32
    %dma_wait3A_54 = tpu.memref_slice %arg4[%mul3A_2, %dma_wait3A_53] : memref<16384x1024xf32, #tpu.memory_space<hbm>> -> memref<32x1024xf32, #tpu.memory_space<hbm>>
    tpu.wait_dma2 semaphore(%arg9 : memref<!tpu.dma_semaphore, #tpu.memory_space<semaphore_mem>>) src(%arg6 : memref<32x1024xf32, #tpu.memory_space<vmem>>) dst(%dma_wait3A_54 : memref<32x1024xf32, #tpu.memory_space<hbm>>)
    %dma_wait3A_55 = arith.constant 0 : i32
    %dma_wait3A_56 = tpu.memref_slice %arg4[%mul3A_2, %dma_wait3A_55] : memref<16384x1024xf32, #tpu.memory_space<hbm>> -> memref<32x1024xf32, #tpu.memory_space<hbm>>
    %dma_wait3A_57 = arith.constant 0 : i32
    %dma_wait3A_58 = tpu.memref_slice %arg4[%mul3A_2, %dma_wait3A_57] : memref<16384x1024xf32, #tpu.memory_space<hbm>> -> memref<32x1024xf32, #tpu.memory_space<hbm>>
    tpu.wait_dma2 semaphore(%arg9 : memref<!tpu.dma_semaphore, #tpu.memory_space<semaphore_mem>>) src(%arg7 : memref<32x1024xf32, #tpu.memory_space<vmem>>) dst(%dma_wait3A_58 : memref<32x1024xf32, #tpu.memory_space<hbm>>)
    return
  }
}

</mosaic_0001>

<sc_bundles>
// kernel: kernel.3.cloned.1.call-start
scs
__scs_entry_jumppad:
0x0: {  	(pc) =	sbr.rel $0x88, $3  }
0x1: {  	(tag) =	ssettag $0x0;
	lr =	simm.s32 $0x1  }
0x2: {  	[smem:$0x3F9F] =	sst lr;
	_ =	strace $0xD0000000  }
0x3: {  	_ = 	snop  }
0x4: {  	_ = 	snop  }
0x5: {  	_ = 	snop  }
0x6: {  	_ = 	snop  }
0x7: {  	_ = 	snop  }
__scs_overlays_trampoline_lowered:
0x8: {  	[smem:$0x3FAE] =	sst s0  }
0x9: {  	[smem:$0x3FAF] =	sst s1  }
0xa: {  	[smem:$0x3FB0] =	sst s2  }
0xb: {  	[smem:$0x3FB1] =	sst s3  }
0xc: {  	[smem:$0x3FB2] =	sst s4  }
0xd: {  	[smem:$0x3FB3] =	sst s5  }
0xe: {  	[smem:$0x3FB4] =	sst s6  }
0xf: {  	[smem:$0x3FB5] =	sst s7  }
0x10: {  	[smem:$0x3FB6] =	sst s8  }
0x11: {  	[smem:$0x3FB7] =	sst s9;
	s0 =	simm.s32 @!p0 $0x0  }
0x12: {  	s1 =	sld [smem:$0x3F9D];
	s0 =	simm.s32 @p0 $0x1  }
0x13: {  	[smem:$0x3FB8] =	sst s0;
	s0 =	simm.s32 @!p1 $0x0  }
0x14: {  	s2 =	sld [smem:$0x3F9C];
	s0 =	simm.s32 @p1 $0x1  }
0x15: {  	[smem:$0x3FB9] =	sst s0;
	s0 =	simm.s32 @!p2 $0x0  }
0x16: {  	s3 =	sld [smem:$0x3FDB];
	s0 =	simm.s32 @p2 $0x1  }
0x17: {  	s4 =	simm.s32 $0x1BF5;
	[smem:$0x3FBB] =	sst s0  }
0x18: {  	s0 =	sld [smem:$0x3F9E];
	_ =	swait.ge [sflag:s4], $0x0  }
0x19: {  	s7 =	sld [smem:$0x3F9F]  }
0x1a: {  	s8 =	sadd.s32 $0xFFFFE003, lr  }
0x1b: {  	s9 =	sadd.s32 $0xFFFFFEF7, lr;
	s5 =	simm.s32 $0xFFFFFFFF;
	p2 =	slt.u32 s8, $0xFFFFF086  }
0x1c: {  	p1 =	slt.u32 s9, $0xF7A;
	s5 =	simm.s32 @!p2 $0x0  }
0x1d: {  	s5 =	simm.s32 @p1 $0x1;
	p0 =	seq.s32 s7, s2  }
0x1e: {  	s7 =	smul.u32 @!p0 $0xF7A, s2;
	p2 =	seq.s32 @!p0 s5, $0x0  }
0x1f: {  	s9 =	smul.u32 $0xF7A, s1;
	s8 =	simm.s32 @!p0 $0x1BF5;
	p2 =	por !p2, p0  }
0x20: {  	[sflag:s8] =	ssyncset.s32 @!p0 $0xFFFFF086;
	s6 =	sadd.s32 @!p0 s3, s7;
	s7 =	simm.s32 @!p0 $0x108  }
0x21: {  	s3 =	sadd.s32 s3, s9;
	s6 =	sadd.s32 @!p0 $0x88, s6;
	s7 =	simm.s32 @p2 $0x1082  }
0x22: {  	[simem:s7], [sflag:s8] =	dma.local @!p0 [hbm:s6], $0xF7A  }
0x23: {  	s9 =	sor.u32 $0xD0000000, s2;
	s6 =	simm.s32 $0x108;
	_ =	swait.ge @!p0 [sflag:s8], $0x0  }
0x24: {  	s3 =	sadd.s32 $0x88, s3;
	s6 =	simm.s32 @!p1 $0x1082;
	[sflag:s4] =	ssyncset.s32 $0xFFFFF086  }
0x25: {  	[simem:s6], [sflag:s4] =	dma.local [hbm:s3], $0xF7A  }
0x26: {  	[smem:$0x3F9F] =	sst s1;
	(tag) =	ssettag s2;
	_ =	strace s9  }
0x27: {  	s1 =	sld [smem:$0x3FAF]  }
0x28: {  	s2 =	sld [smem:$0x3FB0]  }
0x29: {  	s4 =	sld [smem:$0x3FB2]  }
0x2a: {  	p0 =	seq.s32 s5, $0x0;
	s5 =	sld [smem:$0x3FB3]  }
0x2b: {  	s6 =	sld [smem:$0x3FB4]  }
0x2c: {  	s7 =	sld [smem:$0x3FB5]  }
0x2d: {  	s3 =	simm.s32 $0x108;
	s8 =	sld [smem:$0x3FB6]  }
0x2e: {  	s3 =	simm.s32 @!p0 $0x1082;
	s9 =	sld [smem:$0x3FB7]  }
0x2f: {  	lr =	sadd.s32 s0, s3;
	s0 =	sld [smem:$0x3FAE]  }
0x30: {  	s3 =	sld [smem:$0x3FB1]  }
0x31: {  	[smem:$0x3FBA] =	sst s10  }
0x32: {  	s10 =	sld [smem:$0x3FB8];
	_ =	sdelay $0x3  }
0x33: {  	p0 =	seq.s32 s10, $0x1;
	s10 =	sld [smem:$0x3FBA];
	_ =	sdelay $0x3  }
0x34: {  	[smem:$0x3FBA] =	sst s10  }
0x35: {  	s10 =	sld [smem:$0x3FB9];
	_ =	sdelay $0x3  }
0x36: {  	p1 =	seq.s32 s10, $0x1;
	s10 =	sld [smem:$0x3FBA];
	_ =	sdelay $0x3  }
0x37: {  	[smem:$0x3FBA] =	sst s10  }
0x38: {  	s10 =	sld [smem:$0x3FBB]  }
0x39: {  	_ = 	snop;
	(pc) =	sbr.ind lr, $3  }
0x3a: {  	_ = 	snop  }
0x3b: {  	_ = 	snop  }
0x3c: {  	p2 =	seq.s32 s10, $0x1;
	s10 =	sld [smem:$0x3FBA]  }
0x3d: {  	_ =	shalt  }
0x3e: {  	_ =	shalt  }
0x3f: {  	_ =	shalt  }
0x40: {  	_ =	shalt  }
0x41: {  	_ =	shalt  }
0x42: {  	_ =	shalt  }
0x43: {  	_ =	shalt  }
0x44: {  	_ =	shalt  }
0x45: {  	_ =	shalt  }
0x46: {  	_ =	shalt  }
0x47: {  	_ =	shalt  }
0x48: {  	_ =	shalt  }
0x49: {  	_ =	shalt  }
0x4a: {  	_ =	shalt  }
0x4b: {  	_ =	shalt  }
0x4c: {  	_ =	shalt  }
0x4d: {  	_ =	shalt  }
0x4e: {  	_ =	shalt  }
0x4f: {  	_ =	shalt  }
0x50: {  	_ =	shalt  }
0x51: {  	_ =	shalt  }
0x52: {  	_ =	shalt  }
0x53: {  	_ =	shalt  }
0x54: {  	_ =	shalt  }
0x55: {  	_ =	shalt  }
0x56: {  	_ =	shalt  }
0x57: {  	_ =	shalt  }
0x58: {  	_ =	shalt  }
0x59: {  	_ =	shalt  }
0x5a: {  	_ =	shalt  }
0x5b: {  	_ =	shalt  }
0x5c: {  	_ =	shalt  }
0x5d: {  	_ =	shalt  }
0x5e: {  	_ =	shalt  }
0x5f: {  	_ =	shalt  }
0x60: {  	_ =	shalt  }
0x61: {  	_ =	shalt  }
0x62: {  	_ =	shalt  }
0x63: {  	_ =	shalt  }
0x64: {  	_ =	shalt  }
0x65: {  	_ =	shalt  }
0x66: {  	_ =	shalt  }
0x67: {  	_ =	shalt  }
0x68: {  	_ =	shalt  }
0x69: {  	_ =	shalt  }
0x6a: {  	_ =	shalt  }
0x6b: {  	_ =	shalt  }
0x6c: {  	_ =	shalt  }
0x6d: {  	_ =	shalt  }
0x6e: {  	_ =	shalt  }
0x6f: {  	_ =	shalt  }
0x70: {  	_ =	shalt  }
0x71: {  	_ =	shalt  }
0x72: {  	_ =	shalt  }
0x73: {  	_ =	shalt  }
0x74: {  	_ =	shalt  }
0x75: {  	_ =	shalt  }
0x76: {  	_ =	shalt  }
0x77: {  	_ =	shalt  }
0x78: {  	_ =	shalt  }
0x79: {  	_ =	shalt  }
0x7a: {  	_ =	shalt  }
0x7b: {  	_ =	shalt  }
0x7c: {  	_ =	shalt  }
0x7d: {  	_ =	shalt  }
0x7e: {  	_ =	shalt  }
0x7f: {  	_ =	shalt  }
0x80: {  	_ =	shalt  }
0x81: {  	_ =	shalt  }
0x82: {  	_ =	shalt  }
0x83: {  	_ =	shalt  }
0x84: {  	_ =	shalt  }
0x85: {  	_ =	shalt  }
0x86: {  	_ =	shalt  }
0x87: {  	_ =	shalt  }
.Lfunc_end0:
.L_simem_size_0:
called_computation_lowered:
.L_overlay_start_0:
0x88: {  	s2 =	sld [smem:$0x3FD9]  }
0x89: {  	s3 =	sld [smem:$0x3FFE];
	_ =	sdelay $0x1  }
0x8a: {  	s1 =	srdreg.scid  }
0x8b: {  	s0 =	sand.u32 $0x1, s1  }
0x8c: {  	s17 =	sshll.u32 s0, $0xA;
	s2 =	sadd.s32 s3, s2  }
0x8d: {  	s2 =	sadd.s32 s2, s17  }
0x8e: {  	[smem:$0x3FC6] =	sst s2  }
0x8f: {  	_ = 	snop  }
0x90: {  	s2 =	sld [smem:$0x3FC8]  }
0x91: {  	s18 =	sld [smem:$0x3FD0];
	(tm) =	ssettm $0x1  }
0x92: {  	s4 =	sld [smem:$0x3FFB];
	_ =	sdelay $0x3  }
0x93: {  	_ =	strace s4  }
0x94: {  	s4 =	sld [smem:$0x3FFC];
	_ =	sdelay $0x3  }
0x95: {  	_ =	strace s4  }
0x96: {  	s4 =	sld [smem:$0x3FFD];
	_ =	sdelay $0x3  }
0x97: {  	_ =	strace s4  }
0x98: {  	_ =	strace $0x8FFFFFFF  }
0x99: {  	s19 =	sld [smem:$0x3FDB];
	_ =	sdelay $0x1  }
0x9a: {  	s5 =	simm.s32 $_scs_section_size  }
0x9b: {  	s6 =	simm.s32 $_size__tile_overlayer_lowered;
	s7 =	simm.s32 $_tile_overlayer_lowered  }
0x9c: {  	s22 =	simm.s32 $0x1BFF;
	s21 =	sshll.u32 s7, $0x1;
	s4 =	sadd.s32 s5, s19  }
0x9d: {  	s8 =	simm.s32 $0x0;
	s20 =	sshll.u32 s6, $0x1;
	s6 =	sadd.s32 s21, s4  }
0x9e: {  	[timem:s8], [sflag:s22] =	dma.local [hbm:s6], s20  }
0x9f: {  	_ =	swait.ge [sflag:s22], s20  }
0xa0: {  	s5 =	ssub.s32 $0x0, s20;
	[sflag:s22] =	ssyncset.done $0x0  }
0xa1: {  	[sflag:s22] =	ssyncadd.s32 s5;
	_ =	sdelay $0x1  }
0xa2: {  	s23 =	simm.s32 $0x1B8B  }
0xa3: {  	_ =	swait.ge [sflag:s23], $0x1  }
0xa4: {  	[sflag:s23] =	ssyncset.done $0x0  }
0xa5: {  	s25 =	simm.s32 $0x1B8E;
	s24 =	sld [smem:$0x3FFE];
	[sflag:s23] =	ssyncadd.s32 $0xFFFFFFFF  }
0xa6: {  	s26 =	simm.s32 $execute0_lowered;
	[smem:$0x3FD2] =	sst s25  }
0xa7: {  	s6 =	sshll.u32 s26, $0x1;
	_ =	strace $0x80000046;
	[dreg:$0x1] =	wrdreg $0xFFFFFFFF  }
0xa8: {  	s28 =	simm.s32 $_size_execute0_lowered;
	s4 =	sadd.s32 s4, s6;
	[dreg:$0x0] =	wrdreg $0x0  }
0xa9: {  	s6 =	sshll.u32 s28, $0x1;
	[dreg:$0x2] =	wrdreg s4  }
0xaa: {  	[dreg:$0x3] =	wrdreg s6  }
0xab: {  	[dreg:$0x4] =	wrdreg $0xC0  }
0xac: {  	_ =	task [dreg:s8], $0x5FFFF  }
0xad: {  	[dreg:$0x1] =	wrdreg $0xFFFFFFFF  }
0xae: {  	[dreg:$0x0] =	wrdreg $0x60  }
0xaf: {  	[dreg:$0x2] =	wrdreg s2  }
0xb0: {  	[dreg:$0x3] =	wrdreg s24  }
0xb1: {  	[dreg:$0x4] =	wrdreg s18  }
0xb2: {  	[dreg:$0x5] =	wrdreg $0x9  }
0xb3: {  	_ =	task.clear_ibuf [dreg:s8], $0x6FFFF;
	_ =	strace $0x90000046  }
0xb4: {  	s29 =	simm.s32 $0x9;
	_ =	strace $0x80000048  }
0xb5: {  	_ =	swait.ge [sflag:s29], $0x1  }
0xb6: {  	[sflag:s29] =	ssyncadd.s32 $0xFFFFFFFF  }
0xb7: {  	_ =	strace $0x90000048  }
0xb8: {  	_ =	sfence  }
0xb9: {  	s30 =	sld [smem:$0x0];
	_ =	sdelay $0x2  }
0xba: {  	s31 =	sshll.u32 s1, $0xD;
	s1 =	sshrl.u32 s1, $0x2  }
0xbb: {  	s3 =	sand.u32 $0x4000, s31;
	s1 =	sadd.s32 s1, s30  }
0xbc: {  	s0 =	sor.u32 s3, s0;
	s1 =	sshll.u32 s1, $0x11  }
0xbd: {  	s0 =	sor.u32 s1, s0  }
0xbe: {  	s0 =	sadd.s32 $0x8F2B, s0  }
0xbf: {  	[sflag:s0] =	ssyncadd.remote.s32 $0x1  }
0xc0: {  	_ =	sfence.sel $0xFFFF  }
0xc1: {  	[dreg:$0x0] =	wrdreg $0xFFFFFFFF;
	(pc) =	sbr.abs _section_cstart, $3  }
0xc2: {  	[dreg:$0x1] =	wrdreg $0xFFFFFFFF  }
0xc3: {  	_ =	task.clear_ibuf [dreg:s8], $0x2FFFF;
	_ =	strace $0x9FFFFFFF  }
0xc4: {  	(tm) =	ssettm $0x7FFFFFFF  }
0xc5: {  	_ =	shalt  }
tec
execute0_lowered:
.L_overlay_start_1:
0x0: {  	(tag) =	ssettag $0x1  }
0x1: {  	s1 =	rddreg [dreg:$0x0]  }
0x2: {  	s0 =	srdreg.scid;
	s2 =	rddreg [dreg:$0x1]  }
0x3: {  	s10 =	stileid.u32;
	s4 =	rddreg [dreg:$0x2];
	s3 =	simm.s32 $0x0  }
0x4: {  	s14 =	simm.s32 $0x200;
	s31 =	simm.s32 $0x8200;
	s11 =	simm.s32 $0x6A00  }
0x5: {  	s12 =	simm.s32 $0x7200;
	s15 =	simm.s32 $0x7A00;
	s16 =	simm.s32 $0x8A00  }
0x6: {  	s17 =	simm.s32 $0x9200;
	s18 =	simm.s32 $0x9A00;
	s19 =	simm.s32 $0xA200  }
0x7: {  	s20 =	simm.s32 $0xAA00;
	s28 =	simm.s32 $0xBA00;
	s29 =	simm.s32 $0xC200  }
0x8: {  	s30 =	simm.s32 $0xCA00;
	s13 =	simm.s32 $0xE200;
	s0 =	sand.u32 $0x1, s0  }
0x9: {  	s5 =	sshll.u32 s10, $0xA;
	[smem:$0x7FF] =	sst s3;
	s8 =	sadd.s32 $0x300, s1  }
0xa: {  	s24 =	sshll.u32 s10, $0x11;
	s6 =	sshll.u32 s0, $0x9;
	s7 =	ssub.s32 $0x2, s0  }
0xb: {  	_ =	strace $0x80000047;
	s5 =	sor.u32 s6, s5;
	s21 =	sshrl.u32 s7, $0x1  }
0xc: {  	s0 =	sshll.u32 s0, $0x10;
	s6 =	sshrl.u32 s5, $0x3;
	s9 =	ssub.s32 s7, s21  }
0xd: {  	s7 =	sadd.s32 $0x200, s1;
	s23 =	sshll.u32 s5, $0x7;
	s21 =	simm.s32 $0x1  }
0xe: {  	s5 =	simm.s32 $0xF200;
	s2 =	sadd.s32 s6, s2;
	s26 =	smax.u32 s9, $0x1  }
0xf: {  	s22 =	sadd.s32 $0x400, s2;
	s2 =	sadd.s32 $0x408, s2;
	[dreg:$0x9] =	wrdreg s26  }
0x10: {  	s6 =	sadd.s32 $0x100, s1;
	[dreg:$0x6] =	wrdreg s2;
	s2 =	sadd.s32 s23, s4  }
0x11: {  	s9 =	simm.s32 $0xFA00;
	[dreg:$0x5] =	wrdreg s22;
	s25 =	sadd.s32 $0xE000, s2  }
0x12: {  	s4 =	sadd.s32 s24, s4;
	s2 =	sadd.s32 $0xF000, s2;
	[dreg:$0x7] =	wrdreg s25  }
0x13: {  	v2 =	vlaneseq.u32;
	s26 =	simm.s32 $0xB200;
	s0 =	sadd.s32 s0, s4;
	[dreg:$0x8] =	wrdreg s2  }
0x14: {  	vm0 =	vmmov $0xffff;
	v1 =	vshrl.u32 v2, $0x3;
	s22 =	simm.s32 $0x2;
	s4 =	simm.s32 $0xEA00;
	[dreg:$0x4] =	wrdreg s0  }
0x15: {  	v0 =	vand.u32 $0x7, v2;
	v2 =	vor.u32 $0x8, v2;
	v1 =	vmul.u32 $0x8, v1;
	s25 =	simm.s32 $0xA00;
	s0 =	simm.s32 $0x0;
	s2 =	simm.s32 $0xD200  }
.LBB2_1:
0x16: {  	[dreg:$0xa] =	wrdreg s0  }
0x17: {  	s23 =	rddreg [dreg:$0x5];
	s24 =	simm.s32 $0x4  }
0x18: {  	[tilespmem:s3], [sflag:$0x4] =	stream.linear.gather [hbm4b:s23+s3], $0x40, $0x38;
	[tilespmem:$0x10200] =	vst v63  }
0x19: {  	_ =	swait.ge [sflag:s24], $0x40  }
0x1a: {  	[sflag:s24] =	ssyncset.done $0x0  }
0x1b: {  	s0 =	rddreg [dreg:$0x6];
	[sflag:s24] =	ssyncadd.s32 $0xFFFFFFC0;
	s24 =	simm.s32 $0x40  }
0x1c: {  	[tilespmem:s24], [sflag:$0x3] =	stream.linear.gather [hbm4b:s0+s3], $0x1C0, $0x38;
	[tilespmem:$0x10200] =	vst v63  }
0x1d: {  	v3 =	vld [tilespmem:$0x0];
	_ =	sdelay $0x4  }
0x1e: {  	v4 =	vshll.u32 v3, $0x3  }
0x1f: {  	v3 =	vand.u32 $0x7, v3;
	v4 =	vand.u32 $0xFFFFFFC0, v4  }
0x20: {  	v3 =	vor.u32 v3, v4  }
0x21: {  	v4 =	vperm.xlane v3, v0;
	_ =	sdelay $0x1  }
0x22: {  	v4 =	vadd.s32 v1, v4;
	_ =	sdelay $0x4  }
0x23: {  	[tilespmem:s14], [sflag:$0x1] =	stream.indirect_vreg.gather [hbm4b:s1+s3], $0x80, v4, vm0, $0xb8;
	[tilespmem:$0x10200] =	vst v63  }
0x24: {  	v3 =	vperm.xlane v3, v2  }
0x25: {  	[tilespmem:s25], [sflag:$0x1] =	stream.indirect_vreg.gather [hbm4b:s6+s3], $0x80, v4, vm0, $0xb8;
	[tilespmem:$0x10200] =	vst v63  }
0x26: {  	s10 =	simm.s32 $0x1200;
	v3 =	vadd.s32 v1, v3  }
0x27: {  	[tilespmem:s10], [sflag:$0x1] =	stream.indirect_vreg.gather [hbm4b:s7+s3], $0x80, v4, vm0, $0xb8;
	[tilespmem:$0x10200] =	vst v63  }
0x28: {  	s23 =	simm.s32 $0x1A00  }
0x29: {  	[tilespmem:s23], [sflag:$0x1] =	stream.indirect_vreg.gather [hbm4b:s8+s3], $0x80, v4, vm0, $0xb8;
	[tilespmem:$0x10200] =	vst v63  }
0x2a: {  	s24 =	simm.s32 $0x2200  }
0x2b: {  	[tilespmem:s24], [sflag:$0x1] =	stream.indirect_vreg.gather [hbm4b:s1+s3], $0x80, v3, vm0, $0xb8;
	[tilespmem:$0x10200] =	vst v63  }
0x2c: {  	s25 =	simm.s32 $0x2A00  }
0x2d: {  	[tilespmem:s25], [sflag:$0x1] =	stream.indirect_vreg.gather [hbm4b:s6+s3], $0x80, v3, vm0, $0xb8;
	[tilespmem:$0x10200] =	vst v63  }
0x2e: {  	s10 =	simm.s32 $0x3200  }
0x2f: {  	[tilespmem:s10], [sflag:$0x1] =	stream.indirect_vreg.gather [hbm4b:s7+s3], $0x80, v3, vm0, $0xb8;
	[tilespmem:$0x10200] =	vst v63  }
0x30: {  	s23 =	simm.s32 $0x3A00  }
0x31: {  	[tilespmem:s23], [sflag:$0x1] =	stream.indirect_vreg.gather [hbm4b:s8+s3], $0x80, v3, vm0, $0xb8;
	[tilespmem:$0x10200] =	vst v63  }
0x32: {  	v3 =	vld [tilespmem:$0x10];
	_ =	sdelay $0x4  }
0x33: {  	v61 =	vshll.u32 v3, $0x3  }
0x34: {  	v3 =	vand.u32 $0x7, v3;
	v4 =	vand.u32 $0xFFFFFFC0, v61  }
0x35: {  	v3 =	vor.u32 v3, v4  }
0x36: {  	v4 =	vperm.xlane v3, v0;
	_ =	sdelay $0x1  }
0x37: {  	v4 =	vadd.s32 v1, v4;
	_ =	sdelay $0x3  }
0x38: {  	s24 =	simm.s32 $0x4200  }
0x39: {  	[tilespmem:s24], [sflag:$0x1] =	stream.indirect_vreg.gather [hbm4b:s1+s3], $0x80, v4, vm0, $0xb8;
	[tilespmem:$0x10200] =	vst v63  }
0x3a: {  	s25 =	simm.s32 $0x4A00;
	v3 =	vperm.xlane v3, v2  }
0x3b: {  	[tilespmem:s25], [sflag:$0x1] =	stream.indirect_vreg.gather [hbm4b:s6+s3], $0x80, v4, vm0, $0xb8;
	[tilespmem:$0x10200] =	vst v63  }
0x3c: {  	s10 =	simm.s32 $0x5200;
	v3 =	vadd.s32 v1, v3  }
0x3d: {  	[tilespmem:s10], [sflag:$0x1] =	stream.indirect_vreg.gather [hbm4b:s7+s3], $0x80, v4, vm0, $0xb8;
	[tilespmem:$0x10200] =	vst v63  }
0x3e: {  	s23 =	simm.s32 $0x5A00  }
0x3f: {  	[tilespmem:s23], [sflag:$0x1] =	stream.indirect_vreg.gather [hbm4b:s8+s3], $0x80, v4, vm0, $0xb8;
	[tilespmem:$0x10200] =	vst v63  }
0x40: {  	s24 =	simm.s32 $0x6200  }
0x41: {  	[tilespmem:s24], [sflag:$0x1] =	stream.indirect_vreg.gather [hbm4b:s1+s3], $0x80, v3, vm0, $0xb8;
	[tilespmem:$0x10200] =	vst v63  }
0x42: {  	_ = 	snop  }
0x43: {  	[tilespmem:s11], [sflag:$0x1] =	stream.indirect_vreg.gather [hbm4b:s6+s3], $0x80, v3, vm0, $0xb8;
	[tilespmem:$0x10200] =	vst v63  }
0x44: {  	_ = 	snop  }
0x45: {  	[tilespmem:s12], [sflag:$0x1] =	stream.indirect_vreg.gather [hbm4b:s7+s3], $0x80, v3, vm0, $0xb8;
	[tilespmem:$0x10200] =	vst v63  }
0x46: {  	_ = 	snop  }
0x47: {  	[tilespmem:s15], [sflag:$0x1] =	stream.indirect_vreg.gather [hbm4b:s8+s3], $0x80, v3, vm0, $0xb8;
	[tilespmem:$0x10200] =	vst v63  }
0x48: {  	v3 =	vld [tilespmem:$0x20];
	_ =	sdelay $0x4  }
0x49: {  	v62 =	vshll.u32 v3, $0x3  }
0x4a: {  	v3 =	vand.u32 $0x7, v3;
	v4 =	vand.u32 $0xFFFFFFC0, v62  }
0x4b: {  	v3 =	vor.u32 v3, v4  }
0x4c: {  	v4 =	vperm.xlane v3, v0;
	_ =	sdelay $0x1  }
0x4d: {  	v4 =	vadd.s32 v1, v4;
	_ =	sdelay $0x4  }
0x4e: {  	[tilespmem:s31], [sflag:$0x1] =	stream.indirect_vreg.gather [hbm4b:s1+s3], $0x80, v4, vm0, $0xb8;
	[tilespmem:$0x10200] =	vst v63  }
0x4f: {  	v3 =	vperm.xlane v3, v2  }
0x50: {  	[tilespmem:s16], [sflag:$0x1] =	stream.indirect_vreg.gather [hbm4b:s6+s3], $0x80, v4, vm0, $0xb8;
	[tilespmem:$0x10200] =	vst v63  }
0x51: {  	v3 =	vadd.s32 v1, v3  }
0x52: {  	[tilespmem:s17], [sflag:$0x1] =	stream.indirect_vreg.gather [hbm4b:s7+s3], $0x80, v4, vm0, $0xb8;
	[tilespmem:$0x10200] =	vst v63  }
0x53: {  	_ = 	snop  }
0x54: {  	[tilespmem:s18], [sflag:$0x1] =	stream.indirect_vreg.gather [hbm4b:s8+s3], $0x80, v4, vm0, $0xb8;
	[tilespmem:$0x10200] =	vst v63  }
0x55: {  	_ = 	snop  }
0x56: {  	[tilespmem:s19], [sflag:$0x1] =	stream.indirect_vreg.gather [hbm4b:s1+s3], $0x80, v3, vm0, $0xb8;
	[tilespmem:$0x10200] =	vst v63  }
0x57: {  	_ = 	snop  }
0x58: {  	[tilespmem:s20], [sflag:$0x1] =	stream.indirect_vreg.gather [hbm4b:s6+s3], $0x80, v3, vm0, $0xb8;
	[tilespmem:$0x10200] =	vst v63  }
0x59: {  	_ = 	snop  }
0x5a: {  	[tilespmem:s26], [sflag:$0x1] =	stream.indirect_vreg.gather [hbm4b:s7+s3], $0x80, v3, vm0, $0xb8;
	[tilespmem:$0x10200] =	vst v63  }
0x5b: {  	_ = 	snop  }
0x5c: {  	[tilespmem:s28], [sflag:$0x1] =	stream.indirect_vreg.gather [hbm4b:s8+s3], $0x80, v3, vm0, $0xb8;
	[tilespmem:$0x10200] =	vst v63  }
0x5d: {  	v3 =	vld [tilespmem:$0x30];
	_ =	sdelay $0x4  }
0x5e: {  	v63 =	vshll.u32 v3, $0x3  }
0x5f: {  	v3 =	vand.u32 $0x7, v3;
	v4 =	vand.u32 $0xFFFFFFC0, v63  }
0x60: {  	v3 =	vor.u32 v3, v4  }
0x61: {  	v4 =	vperm.xlane v3, v0;
	_ =	sdelay $0x1  }
0x62: {  	v4 =	vadd.s32 v1, v4;
	_ =	sdelay $0x4  }
0x63: {  	[tilespmem:s29], [sflag:$0x1] =	stream.indirect_vreg.gather [hbm4b:s1+s3], $0x80, v4, vm0, $0xb8;
	[tilespmem:$0x10200] =	vst v63  }
0x64: {  	v3 =	vperm.xlane v3, v2  }
0x65: {  	[tilespmem:s30], [sflag:$0x1] =	stream.indirect_vreg.gather [hbm4b:s6+s3], $0x80, v4, vm0, $0xb8;
	[tilespmem:$0x10200] =	vst v63  }
0x66: {  	v3 =	vadd.s32 v1, v3  }
0x67: {  	[tilespmem:s2], [sflag:$0x1] =	stream.indirect_vreg.gather [hbm4b:s7+s3], $0x80, v4, vm0, $0xb8;
	[tilespmem:$0x10200] =	vst v63  }
0x68: {  	s0 =	simm.s32 $0xDA00  }
0x69: {  	[tilespmem:s0], [sflag:$0x1] =	stream.indirect_vreg.gather [hbm4b:s8+s3], $0x80, v4, vm0, $0xb8;
	[tilespmem:$0x10200] =	vst v63  }
0x6a: {  	_ = 	snop  }
0x6b: {  	[tilespmem:s13], [sflag:$0x1] =	stream.indirect_vreg.gather [hbm4b:s1+s3], $0x80, v3, vm0, $0xb8;
	[tilespmem:$0x10200] =	vst v63  }
0x6c: {  	_ = 	snop  }
0x6d: {  	[tilespmem:s4], [sflag:$0x1] =	stream.indirect_vreg.gather [hbm4b:s6+s3], $0x80, v3, vm0, $0xb8;
	[tilespmem:$0x10200] =	vst v63  }
0x6e: {  	_ = 	snop  }
0x6f: {  	[tilespmem:s5], [sflag:$0x1] =	stream.indirect_vreg.gather [hbm4b:s7+s3], $0x80, v3, vm0, $0xb8;
	[tilespmem:$0x10200] =	vst v63  }
0x70: {  	s25 =	simm.s32 $0x3  }
0x71: {  	[tilespmem:s9], [sflag:$0x1] =	stream.indirect_vreg.gather [hbm4b:s8+s3], $0x80, v3, vm0, $0xb8;
	[tilespmem:$0x10200] =	vst v63  }
0x72: {  	_ =	swait.ge [sflag:s25], $0x1C0  }
0x73: {  	[sflag:s25] =	ssyncset.done $0x0  }
0x74: {  	s23 =	simm.s32 $0x70;
	s24 =	simm.s32 $0x0;
	[sflag:s25] =	ssyncadd.s32 $0xFFFFFE40  }
.LBB2_2:
0x75: {  	_ =	swait.ge [sflag:s21], $0x8000  }
0x76: {  	s25 =	rddreg [dreg:$0x4];
	[sflag:s21] =	ssyncset.done $0x0  }
0x77: {  	[sflag:s21] =	ssyncadd.s32 $0xFFFF8000;
	s25 =	sadd.s32 s24, s25  }
0x78: {  	[hbm4b:s25+s3] =	stream.linear.scatter [tilespmem:s14], [sflag:$0x2], $0x8000, $0x38;
	[tilespmem:$0x10200] =	vst v63  }
0x79: {  	_ =	swait.ge [sflag:s21], $0x8000  }
0x7a: {  	[sflag:s21] =	ssyncset.done $0x0  }
0x7b: {  	s25 =	sadd.s32 $0x1000, s25;
	[sflag:s21] =	ssyncadd.s32 $0xFFFF8000  }
0x7c: {  	[hbm4b:s25+s3] =	stream.linear.scatter [tilespmem:s31], [sflag:$0x2], $0x8000, $0x38;
	[tilespmem:$0x10200] =	vst v63  }
0x7d: {  	_ =	swait.ge [sflag:s22], $0x8000  }
0x7e: {  	[sflag:s22] =	ssyncset.done $0x0  }
0x7f: {  	[sflag:s22] =	ssyncadd.s32 $0xFFFF8000  }
0x80: {  	v3 =	vld [tilespmem:s23+$0xFFFFFFD0];
	_ =	sdelay $0x4  }
0x81: {  	v4 =	vshll.u32 v3, $0x3  }
0x82: {  	v3 =	vand.u32 $0x7, v3;
	v4 =	vand.u32 $0xFFFFFFC0, v4  }
0x83: {  	v3 =	vor.u32 v3, v4  }
0x84: {  	v4 =	vperm.xlane v3, v0;
	_ =	sdelay $0x1  }
0x85: {  	v4 =	vadd.s32 v1, v4;
	_ =	sdelay $0x4  }
0x86: {  	[tilespmem:s14], [sflag:$0x1] =	stream.indirect_vreg.gather [hbm4b:s1+s3], $0x80, v4, vm0, $0xb8;
	[tilespmem:$0x10200] =	vst v63  }
0x87: {  	s25 =	simm.s32 $0xA00;
	v3 =	vperm.xlane v3, v2  }
0x88: {  	[tilespmem:s25], [sflag:$0x1] =	stream.indirect_vreg.gather [hbm4b:s6+s3], $0x80, v4, vm0, $0xb8;
	[tilespmem:$0x10200] =	vst v63  }
0x89: {  	s10 =	simm.s32 $0x1200;
	v3 =	vadd.s32 v1, v3  }
0x8a: {  	[tilespmem:s10], [sflag:$0x1] =	stream.indirect_vreg.gather [hbm4b:s7+s3], $0x80, v4, vm0, $0xb8;
	[tilespmem:$0x10200] =	vst v63  }
0x8b: {  	s10 =	simm.s32 $0x1A00  }
0x8c: {  	[tilespmem:s10], [sflag:$0x1] =	stream.indirect_vreg.gather [hbm4b:s8+s3], $0x80, v4, vm0, $0xb8;
	[tilespmem:$0x10200] =	vst v63  }
0x8d: {  	s10 =	simm.s32 $0x2200  }
0x8e: {  	[tilespmem:s10], [sflag:$0x1] =	stream.indirect_vreg.gather [hbm4b:s1+s3], $0x80, v3, vm0, $0xb8;
	[tilespmem:$0x10200] =	vst v63  }
0x8f: {  	s10 =	simm.s32 $0x2A00  }
0x90: {  	[tilespmem:s10], [sflag:$0x1] =	stream.indirect_vreg.gather [hbm4b:s6+s3], $0x80, v3, vm0, $0xb8;
	[tilespmem:$0x10200] =	vst v63  }
0x91: {  	s10 =	simm.s32 $0x3200  }
0x92: {  	[tilespmem:s10], [sflag:$0x1] =	stream.indirect_vreg.gather [hbm4b:s7+s3], $0x80, v3, vm0, $0xb8;
	[tilespmem:$0x10200] =	vst v63  }
0x93: {  	s10 =	simm.s32 $0x3A00  }
0x94: {  	[tilespmem:s10], [sflag:$0x1] =	stream.indirect_vreg.gather [hbm4b:s8+s3], $0x80, v3, vm0, $0xb8;
	[tilespmem:$0x10200] =	vst v63  }
0x95: {  	v3 =	vld [tilespmem:s23+$0xFFFFFFE0];
	_ =	sdelay $0x4  }
0x96: {  	v61 =	vshll.u32 v3, $0x3  }
0x97: {  	v3 =	vand.u32 $0x7, v3;
	v4 =	vand.u32 $0xFFFFFFC0, v61  }
0x98: {  	v3 =	vor.u32 v3, v4  }
0x99: {  	v4 =	vperm.xlane v3, v0;
	_ =	sdelay $0x1  }
0x9a: {  	v4 =	vadd.s32 v1, v4;
	_ =	sdelay $0x3  }
0x9b: {  	s10 =	simm.s32 $0x4200  }
0x9c: {  	[tilespmem:s10], [sflag:$0x1] =	stream.indirect_vreg.gather [hbm4b:s1+s3], $0x80, v4, vm0, $0xb8;
	[tilespmem:$0x10200] =	vst v63  }
0x9d: {  	v3 =	vperm.xlane v3, v2;
	s10 =	simm.s32 $0x4A00  }
0x9e: {  	[tilespmem:s10], [sflag:$0x1] =	stream.indirect_vreg.gather [hbm4b:s6+s3], $0x80, v4, vm0, $0xb8;
	[tilespmem:$0x10200] =	vst v63  }
0x9f: {  	v3 =	vadd.s32 v1, v3;
	s10 =	simm.s32 $0x5200  }
0xa0: {  	[tilespmem:s10], [sflag:$0x1] =	stream.indirect_vreg.gather [hbm4b:s7+s3], $0x80, v4, vm0, $0xb8;
	[tilespmem:$0x10200] =	vst v63  }
0xa1: {  	s10 =	simm.s32 $0x5A00  }
0xa2: {  	[tilespmem:s10], [sflag:$0x1] =	stream.indirect_vreg.gather [hbm4b:s8+s3], $0x80, v4, vm0, $0xb8;
	[tilespmem:$0x10200] =	vst v63  }
0xa3: {  	s10 =	simm.s32 $0x6200  }
0xa4: {  	[tilespmem:s10], [sflag:$0x1] =	stream.indirect_vreg.gather [hbm4b:s1+s3], $0x80, v3, vm0, $0xb8;
	[tilespmem:$0x10200] =	vst v63  }
0xa5: {  	_ = 	snop  }
0xa6: {  	[tilespmem:s11], [sflag:$0x1] =	stream.indirect_vreg.gather [hbm4b:s6+s3], $0x80, v3, vm0, $0xb8;
	[tilespmem:$0x10200] =	vst v63  }
0xa7: {  	_ = 	snop  }
0xa8: {  	[tilespmem:s12], [sflag:$0x1] =	stream.indirect_vreg.gather [hbm4b:s7+s3], $0x80, v3, vm0, $0xb8;
	[tilespmem:$0x10200] =	vst v63  }
0xa9: {  	_ = 	snop  }
0xaa: {  	[tilespmem:s15], [sflag:$0x1] =	stream.indirect_vreg.gather [hbm4b:s8+s3], $0x80, v3, vm0, $0xb8;
	[tilespmem:$0x10200] =	vst v63  }
0xab: {  	_ =	swait.ge [sflag:s22], $0x8000  }
0xac: {  	[sflag:s22] =	ssyncset.done $0x0  }
0xad: {  	[sflag:s22] =	ssyncadd.s32 $0xFFFF8000  }
0xae: {  	v3 =	vld [tilespmem:s23+$0xFFFFFFF0];
	_ =	sdelay $0x4  }
0xaf: {  	v62 =	vshll.u32 v3, $0x3  }
0xb0: {  	v3 =	vand.u32 $0x7, v3;
	v4 =	vand.u32 $0xFFFFFFC0, v62  }
0xb1: {  	v3 =	vor.u32 v3, v4  }
0xb2: {  	v4 =	vperm.xlane v3, v0;
	_ =	sdelay $0x1  }
0xb3: {  	v4 =	vadd.s32 v1, v4;
	_ =	sdelay $0x4  }
0xb4: {  	[tilespmem:s31], [sflag:$0x1] =	stream.indirect_vreg.gather [hbm4b:s1+s3], $0x80, v4, vm0, $0xb8;
	[tilespmem:$0x10200] =	vst v63  }
0xb5: {  	v3 =	vperm.xlane v3, v2  }
0xb6: {  	[tilespmem:s16], [sflag:$0x1] =	stream.indirect_vreg.gather [hbm4b:s6+s3], $0x80, v4, vm0, $0xb8;
	[tilespmem:$0x10200] =	vst v63  }
0xb7: {  	v3 =	vadd.s32 v1, v3  }
0xb8: {  	[tilespmem:s17], [sflag:$0x1] =	stream.indirect_vreg.gather [hbm4b:s7+s3], $0x80, v4, vm0, $0xb8;
	[tilespmem:$0x10200] =	vst v63  }
0xb9: {  	_ = 	snop  }
0xba: {  	[tilespmem:s18], [sflag:$0x1] =	stream.indirect_vreg.gather [hbm4b:s8+s3], $0x80, v4, vm0, $0xb8;
	[tilespmem:$0x10200] =	vst v63  }
0xbb: {  	_ = 	snop  }
0xbc: {  	[tilespmem:s19], [sflag:$0x1] =	stream.indirect_vreg.gather [hbm4b:s1+s3], $0x80, v3, vm0, $0xb8;
	[tilespmem:$0x10200] =	vst v63  }
0xbd: {  	_ = 	snop  }
0xbe: {  	[tilespmem:s20], [sflag:$0x1] =	stream.indirect_vreg.gather [hbm4b:s6+s3], $0x80, v3, vm0, $0xb8;
	[tilespmem:$0x10200] =	vst v63  }
0xbf: {  	_ = 	snop  }
0xc0: {  	[tilespmem:s26], [sflag:$0x1] =	stream.indirect_vreg.gather [hbm4b:s7+s3], $0x80, v3, vm0, $0xb8;
	[tilespmem:$0x10200] =	vst v63  }
0xc1: {  	_ = 	snop  }
0xc2: {  	[tilespmem:s28], [sflag:$0x1] =	stream.indirect_vreg.gather [hbm4b:s8+s3], $0x80, v3, vm0, $0xb8;
	[tilespmem:$0x10200] =	vst v63  }
0xc3: {  	v3 =	vld [tilespmem:s23+$0x0];
	_ =	sdelay $0x4  }
0xc4: {  	v63 =	vshll.u32 v3, $0x3  }
0xc5: {  	v3 =	vand.u32 $0x7, v3;
	v4 =	vand.u32 $0xFFFFFFC0, v63  }
0xc6: {  	v3 =	vor.u32 v3, v4  }
0xc7: {  	v4 =	vperm.xlane v3, v0;
	_ =	sdelay $0x1  }
0xc8: {  	v4 =	vadd.s32 v1, v4;
	_ =	sdelay $0x4  }
0xc9: {  	[tilespmem:s29], [sflag:$0x1] =	stream.indirect_vreg.gather [hbm4b:s1+s3], $0x80, v4, vm0, $0xb8;
	[tilespmem:$0x10200] =	vst v63  }
0xca: {  	v3 =	vperm.xlane v3, v2  }
0xcb: {  	[tilespmem:s30], [sflag:$0x1] =	stream.indirect_vreg.gather [hbm4b:s6+s3], $0x80, v4, vm0, $0xb8;
	[tilespmem:$0x10200] =	vst v63  }
0xcc: {  	v3 =	vadd.s32 v1, v3  }
0xcd: {  	[tilespmem:s2], [sflag:$0x1] =	stream.indirect_vreg.gather [hbm4b:s7+s3], $0x80, v4, vm0, $0xb8;
	[tilespmem:$0x10200] =	vst v63  }
0xce: {  	_ = 	snop  }
0xcf: {  	[tilespmem:s0], [sflag:$0x1] =	stream.indirect_vreg.gather [hbm4b:s8+s3], $0x80, v4, vm0, $0xb8;
	[tilespmem:$0x10200] =	vst v63  }
0xd0: {  	_ = 	snop  }
0xd1: {  	[tilespmem:s13], [sflag:$0x1] =	stream.indirect_vreg.gather [hbm4b:s1+s3], $0x80, v3, vm0, $0xb8;
	[tilespmem:$0x10200] =	vst v63  }
0xd2: {  	p0 =	sne.s32 s24, $0xC000  }
0xd3: {  	[tilespmem:s4], [sflag:$0x1] =	stream.indirect_vreg.gather [hbm4b:s6+s3], $0x80, v3, vm0, $0xb8;
	[tilespmem:$0x10200] =	vst v63  }
.Ltmp0:
0xd4: {  	_ = 	snop;
	(pc) =	sbr.rel @p0 .LBB2_2-.Ltmp0, $4  }
0xd5: {  	_ = 	snop  }
0xd6: {  	[tilespmem:s5], [sflag:$0x1] =	stream.indirect_vreg.gather [hbm4b:s7+s3], $0x80, v3, vm0, $0xb8;
	[tilespmem:$0x10200] =	vst v63  }
0xd7: {  	s24 =	sadd.s32 $0x2000, s24;
	s23 =	sadd.s32 $0x40, s23  }
0xd8: {  	[tilespmem:s9], [sflag:$0x1] =	stream.indirect_vreg.gather [hbm4b:s8+s3], $0x80, v3, vm0, $0xb8;
	[tilespmem:$0x10200] =	vst v63  }
0xd9: {  	_ =	swait.ge [sflag:s21], $0x8000  }
0xda: {  	[sflag:s21] =	ssyncset.done $0x0  }
0xdb: {  	s23 =	rddreg [dreg:$0x7];
	[sflag:s21] =	ssyncadd.s32 $0xFFFF8000  }
0xdc: {  	[hbm4b:s23+s3] =	stream.linear.scatter [tilespmem:s14], [sflag:$0x2], $0x8000, $0x38;
	[tilespmem:$0x10200] =	vst v63  }
0xdd: {  	_ =	swait.ge [sflag:s21], $0x8000  }
0xde: {  	[sflag:s21] =	ssyncset.done $0x0  }
0xdf: {  	s10 =	rddreg [dreg:$0x8];
	[sflag:s21] =	ssyncadd.s32 $0xFFFF8000  }
0xe0: {  	[hbm4b:s10+s3] =	stream.linear.scatter [tilespmem:s31], [sflag:$0x2], $0x8000, $0x38;
	[tilespmem:$0x10200] =	vst v63  }
0xe1: {  	_ =	swait.ge [sflag:s22], $0x8000  }
0xe2: {  	[sflag:s22] =	ssyncset.done $0x0  }
0xe3: {  	[sflag:s22] =	ssyncadd.s32 $0xFFFF8000  }
0xe4: {  	_ =	swait.ge [sflag:s22], $0x8000  }
0xe5: {  	s0 =	rddreg [dreg:$0xa]  }
0xe6: {  	s24 =	rddreg [dreg:$0x9];
	s0 =	sadd.s32 $0x1, s0  }
0xe7: {  	p0 =	sne.s32 s0, s24  }
.Ltmp1:
0xe8: {  	_ = 	snop;
	(pc) =	sbr.rel @p0 .LBB2_1-.Ltmp1, $3  }
0xe9: {  	_ =	sdelay $0x1  }
0xea: {  	[sflag:s22] =	ssyncset.done $0x0  }
0xeb: {  	[sflag:s22] =	ssyncadd.s32 $0xFFFF8000  }
0xec: {  	_ =	sfence.sel $0x180000  }
0xed: {  	[bflag:$0x0] =	sbarrier.arrive $0xFFFF  }
0xee: {  	_ =	strace $0x90000047  }
0xef: {  	s0 =	stileid.u32;
	[bflag:$0x2] =	sbarrier.arrive $0xFFFF  }
0xf0: {  	p0 =	sne.s32 s0, $0x0;
	s0 =	rddreg [dreg:$0x3]  }
0xf1: {  	s0 =	sadd.s32 @!p0 $0x100000, s0  }
0xf2: {  	[sflag:s0] =	ssyncadd.tile.s32 @!p0 $0x1;
	_ =	shalt  }
.Lfunc_end2:
_tile_overlayer_lowered:
.L_overlay_start_2:
0xf3: {  	(tag) =	ssettag $0x2  }
0xf4: {  	s0 =	rddreg [dreg:$0x0];
	s2 =	stileid.u32  }
0xf5: {  	s1 =	rddreg [dreg:$0x1];
	p0 =	sne.s32 s2, $0x0  }
0xf6: {  	s3 =	rddreg [dreg:$0x2];
	[bflag:$0x3] =	sbarrier.arrive $0xFFFF;
	s2 =	simm.s32 @!p0 $0x1C04  }
0xf7: {  	[timem:s3], [sflag:s2] =	dma.local @!p0 [hbm:s0], s1  }
0xf8: {  	s0 =	simm.s32 @!p0 $0x4  }
0xf9: {  	_ =	swait.ge @!p0 [sflag:s0], s1  }
0xfa: {  	s1 =	ssub.s32 @!p0 $0x0, s1;
	[sflag:s0] =	ssyncset.done @!p0 $0x0  }
0xfb: {  	[sflag:s0] =	ssyncadd.s32 @!p0 s1  }
0xfc: {  	[bflag:$0x3] =	sbarrier.arrive $0xFFFF  }
0xfd: {  	_ =	shalt  }

</sc_bundles>
